<compile_context>
chip_gen: v7x
topology: tpu7x:2x2x1
jax: 0.10.2.dev20260603
libtpu: 0.0.44.dev20260713+nightly
codegen_flags: <defaults>
</compile_context>

<pallas_src>
import jax
import jax.numpy as jnp
from jax import lax
from jax.experimental import pallas as pl
from jax.experimental.pallas import tpu as pltpu
from jax.experimental.pallas import tpu_sc as plsc

B, L, D = 16384, 200, 128
BT = B * L
NC, NS = 2, 16
NW = NC * NS
BPW = BT // NW
CH = 128
NCH = BPW // CH
NB = 4
NROWS = 128


def _body(x_hbm, tab_hbm, out_hbm, tab_s,
          idx0, idx1, idx2, idx3,
          rows0, rows1, rows2, rows3,
          isem0, isem1, isem2, isem3,
          gsem0, gsem1, gsem2, gsem3,
          osem0, osem1, osem2, osem3):
    wid = lax.axis_index("s") * NC + lax.axis_index("c")
    base = wid * BPW
    idx = (idx0, idx1, idx2, idx3)
    rows = (rows0, rows1, rows2, rows3)
    isem = (isem0, isem1, isem2, isem3)
    gsem = (gsem0, gsem1, gsem2, gsem3)
    osem = (osem0, osem1, osem2, osem3)

    @pl.when(lax.axis_index("s") == 0)
    def _():
        pltpu.sync_copy(tab_hbm.at[pl.ds(0, NROWS)], tab_s)

    plsc.subcore_barrier()

    def fetch_idx(c, s):
        pltpu.async_copy(x_hbm.at[wid, c], idx[s], isem[s])

    def wait_idx(c, s):
        pltpu.make_async_copy(x_hbm.at[wid, c], idx[s], isem[s]).wait()

    def start_gather(s):
        pltpu.async_copy(tab_s.at[idx[s].at[0]], rows[s], gsem[s])

    def wait_gather(s):
        pltpu.make_async_copy(tab_s.at[idx[s].at[0]], rows[s],
                              gsem[s]).wait()

    def start_scatter(c, s):
        pltpu.async_copy(rows[s], out_hbm.at[pl.ds(base + c * CH, CH)],
                         osem[s])

    def wait_scatter(c, s):
        pltpu.make_async_copy(rows[s], out_hbm.at[pl.ds(base + c * CH, CH)],
                              osem[s]).wait()

    for s in range(NB):
        fetch_idx(s, s)
    wait_idx(0, 0)
    start_gather(0)

    def step(g, _):
        for p in range(NB):
            c = NB * g + p
            s = p
            sn = (p + 1) % NB
            wait_gather(s)
            start_scatter(c, s)

            @pl.when(c + NB < NCH)
            def _():
                fetch_idx(c + NB, s)

            @pl.when(c + 1 < NCH)
            def _():
                @pl.when(c >= NB - 1)
                def _():
                    wait_scatter(c + 1 - NB, sn)

                wait_idx(c + 1, sn)
                start_gather(sn)

        return 0

    lax.fori_loop(0, NCH // NB, step, 0)

    for k in range(NB):
        c = NCH - NB + k
        wait_scatter(c, c % NB)


_mesh = plsc.VectorSubcoreMesh(core_axis_name="c", subcore_axis_name="s")

_sc_gather = pl.kernel(
    _body,
    out_type=jax.ShapeDtypeStruct((BT, D), jnp.float32),
    mesh=_mesh,
    scratch_types=(
        [pltpu.VMEM_SHARED((NROWS, D), jnp.float32)]
        + [pltpu.VMEM((1, CH), jnp.int32) for _ in range(NB)]
        + [pltpu.VMEM((CH, D), jnp.float32) for _ in range(NB)]
        + [pltpu.SemaphoreType.DMA for _ in range(3 * NB)]
    ),
)


@jax.jit
def kernel(x, pe):
    xr = x.reshape(NW, NCH, 1, CH)
    out = _sc_gather(xr, pe)
    return out.reshape(B, L, D)

# --- scband reference (transcript-rebuilt; emitter-appended) ---
"""Pipeline reference for scband-sinusoidal-positional-embedding-31258771980948 (READ-ONLY COPY).

The authoritative reference and input builder live on the scoring server;
editing this copy changes nothing except your own understanding.
"""

import jax, jax.numpy as jnp
import numpy as np
import math

DIM = 128
MAX_POS = 100000
BASE = 10000
B, L = 16384, 200

def _build_pe():
    half = DIM // 2
    freqs = jnp.exp(-math.log(BASE) * jnp.arange(half, dtype=jnp.float32) / half)
    t = jnp.arange(MAX_POS, dtype=jnp.float32)
    args = t[:, None] * freqs[None]
    pe = jnp.concatenate([jnp.sin(args), jnp.cos(args)], axis=-1)
    return pe

def setup_inputs(seed: int = 0) -> dict:
    key = jax.random.key(seed)
    # Note: the torch module's range assert requires x <= pe.shape[1] == DIM,
    # so indices are drawn in [0, 128) even though the table has 100000 rows.
    x = jax.random.randint(key, (B, L), 0, 128, dtype=jnp.int32)
    pe = _build_pe()
    return {"x": x, "pe": pe}

def reference(x, pe):
    # F.embedding(x, pe) == gather rows of pe by integer index
    return jnp.take(pe, x, axis=0)

if __name__ == "__main__":
    import jax
    _d = setup_inputs()
    print(jax.jit(kernel)(*tuple(_d.values())))

</pallas_src>

<mosaic_0001>
#map = affine_map<(d0, d1) -> (0, 0, 0, 0)>
#map1 = affine_map<(d0, d1) -> (0, 0)>
module attributes {stable_mosaic.version = 14 : i64} {
  func.func @_body(%arg0: i32, %arg1: i32, %arg2: memref<32x800x1x128xi32, #tpu.memory_space<hbm>>, %arg3: memref<100000x128xf32, #tpu.memory_space<hbm>>, %arg4: memref<3276800x128xf32, #tpu.memory_space<hbm>>, %arg5: memref<128x128xf32, #tpu.memory_space<vmem_shared>>, %arg6: memref<1x128xi32, #tpu.memory_space<vmem>>, %arg7: memref<1x128xi32, #tpu.memory_space<vmem>>, %arg8: memref<1x128xi32, #tpu.memory_space<vmem>>, %arg9: memref<1x128xi32, #tpu.memory_space<vmem>>, %arg10: memref<128x128xf32, #tpu.memory_space<vmem>>, %arg11: memref<128x128xf32, #tpu.memory_space<vmem>>, %arg12: memref<128x128xf32, #tpu.memory_space<vmem>>, %arg13: memref<128x128xf32, #tpu.memory_space<vmem>>, %arg14: memref<!tpu.dma_semaphore, #tpu.memory_space<semaphore_mem>>, %arg15: memref<!tpu.dma_semaphore, #tpu.memory_space<semaphore_mem>>, %arg16: memref<!tpu.dma_semaphore, #tpu.memory_space<semaphore_mem>>, %arg17: memref<!tpu.dma_semaphore, #tpu.memory_space<semaphore_mem>>, %arg18: memref<!tpu.dma_semaphore, #tpu.memory_space<semaphore_mem>>, %arg19: memref<!tpu.dma_semaphore, #tpu.memory_space<semaphore_mem>>, %arg20: memref<!tpu.dma_semaphore, #tpu.memory_space<semaphore_mem>>, %arg21: memref<!tpu.dma_semaphore, #tpu.memory_space<semaphore_mem>>, %arg22: memref<!tpu.dma_semaphore, #tpu.memory_space<semaphore_mem>>, %arg23: memref<!tpu.dma_semaphore, #tpu.memory_space<semaphore_mem>>, %arg24: memref<!tpu.dma_semaphore, #tpu.memory_space<semaphore_mem>>, %arg25: memref<!tpu.dma_semaphore, #tpu.memory_space<semaphore_mem>>) attributes {dimension_semantics = [#tpu.dimension_semantics<core_parallel>, #tpu.dimension_semantics<subcore_parallel>], iteration_bounds = array<i64: 2, 16>, scalar_prefetch = 0 : i64, scratch_operands = 21 : i64, tpu.core_type = #tpu.core_type<sc_vector_subcore>, window_params = [{transform_indices = #map}, {transform_indices = #map1}, {transform_indices = #map1}]} {
    %mul3A = arith.constant 2 : i32
    %mul3A_0 = arith.muli %arg1, %mul3A : i32
    %add3A = arith.addi %mul3A_0, %arg0 : i32
    %mul3A_1 = arith.constant 102400 : i32
    %mul3A_2 = arith.muli %add3A, %mul3A_1 : i32
    %eq3A = arith.constant 0 : i32
    %eq3A_3 = arith.cmpi eq, %arg1, %eq3A : i32
    %convert_element_type3A = arith.extui %eq3A_3 : i1 to i32
    %cond3A = arith.constant 0 : i32
    %cond3A_4 = arith.cmpi ne, %convert_element_type3A, %cond3A : i32
    scf.if %cond3A_4 {
      "tpu.region"() ({
        %run_scoped3A = tpu.sem_alloc : memref<!tpu.dma_semaphore, #tpu.memory_space<semaphore_mem>>
        %dma_start3A_85 = arith.constant 0 : i32
        %dma_start3A_86 = arith.constant 0 : i32
        %dma_start3A_87 = tpu.memref_slice %arg3[%dma_start3A_85, %dma_start3A_86] : memref<100000x128xf32, #tpu.memory_space<hbm>> -> memref<128x128xf32, #tpu.memory_space<hbm>>
        tpu.enqueue_dma source(%dma_start3A_87 : memref<128x128xf32, #tpu.memory_space<hbm>>) target(%arg5 : memref<128x128xf32, #tpu.memory_space<vmem_shared>>) target_semaphore(%run_scoped3A : memref<!tpu.dma_semaphore, #tpu.memory_space<semaphore_mem>>)
        %dma_wait3A_88 = arith.constant 0 : i32
        %dma_wait3A_89 = arith.constant 0 : i32
        %dma_wait3A_90 = tpu.memref_slice %arg3[%dma_wait3A_88, %dma_wait3A_89] : memref<100000x128xf32, #tpu.memory_space<hbm>> -> memref<128x128xf32, #tpu.memory_space<hbm>>
        tpu.wait_dma2 semaphore(%run_scoped3A : memref<!tpu.dma_semaphore, #tpu.memory_space<semaphore_mem>>) src(%dma_wait3A_90 : memref<128x128xf32, #tpu.memory_space<hbm>>) dst(%arg5 : memref<128x128xf32, #tpu.memory_space<vmem_shared>>)
        tpu.yield
      }) : () -> ()
    } else {
    }
    %barrier3A = arith.constant 0 : index
    tpu.barrier barrier_id(%barrier3A)
    %dma_start3A = arith.constant 0 : i32
    %dma_start3A_5 = arith.constant 0 : i32
    %dma_start3A_6 = arith.constant 0 : i32
    %dma_start3A_7 = tpu.memref_slice %arg2[%add3A, %dma_start3A, %dma_start3A_5, %dma_start3A_6] : memref<32x800x1x128xi32, #tpu.memory_space<hbm>> -> memref<1x1x1x128xi32, #tpu.memory_space<hbm>>
    %dma_start3A_8 = tpu.memref_squeeze %dma_start3A_7 : memref<1x1x1x128xi32, #tpu.memory_space<hbm>> -> memref<1x128xi32, #tpu.memory_space<hbm>>
    %dma_start3A_9 = arith.constant 0 : i32
    %dma_start3A_10 = arith.constant 0 : i32
    %dma_start3A_11 = tpu.memref_slice %arg2[%add3A, %dma_start3A, %dma_start3A_9, %dma_start3A_10] : memref<32x800x1x128xi32, #tpu.memory_space<hbm>> -> memref<1x1x1x128xi32, #tpu.memory_space<hbm>>
    %dma_start3A_12 = tpu.memref_squeeze %dma_start3A_11 : memref<1x1x1x128xi32, #tpu.memory_space<hbm>> -> memref<1x128xi32, #tpu.memory_space<hbm>>
    tpu.enqueue_dma source(%dma_start3A_12 : memref<1x128xi32, #tpu.memory_space<hbm>>) target(%arg6 : memref<1x128xi32, #tpu.memory_space<vmem>>) target_semaphore(%arg14 : memref<!tpu.dma_semaphore, #tpu.memory_space<semaphore_mem>>)
    %dma_start3A_13 = arith.constant 1 : i32
    %dma_start3A_14 = arith.constant 0 : i32
    %dma_start3A_15 = arith.constant 0 : i32
    %dma_start3A_16 = tpu.memref_slice %arg2[%add3A, %dma_start3A_13, %dma_start3A_14, %dma_start3A_15] : memref<32x800x1x128xi32, #tpu.memory_space<hbm>> -> memref<1x1x1x128xi32, #tpu.memory_space<hbm>>
    %dma_start3A_17 = tpu.memref_squeeze %dma_start3A_16 : memref<1x1x1x128xi32, #tpu.memory_space<hbm>> -> memref<1x128xi32, #tpu.memory_space<hbm>>
    %dma_start3A_18 = arith.constant 0 : i32
    %dma_start3A_19 = arith.constant 0 : i32
    %dma_start3A_20 = tpu.memref_slice %arg2[%add3A, %dma_start3A_13, %dma_start3A_18, %dma_start3A_19] : memref<32x800x1x128xi32, #tpu.memory_space<hbm>> -> memref<1x1x1x128xi32, #tpu.memory_space<hbm>>
    %dma_start3A_21 = tpu.memref_squeeze %dma_start3A_20 : memref<1x1x1x128xi32, #tpu.memory_space<hbm>> -> memref<1x128xi32, #tpu.memory_space<hbm>>
    tpu.enqueue_dma source(%dma_start3A_21 : memref<1x128xi32, #tpu.memory_space<hbm>>) target(%arg7 : memref<1x128xi32, #tpu.memory_space<vmem>>) target_semaphore(%arg15 : memref<!tpu.dma_semaphore, #tpu.memory_space<semaphore_mem>>)
    %dma_start3A_22 = arith.constant 2 : i32
    %dma_start3A_23 = arith.constant 0 : i32
    %dma_start3A_24 = arith.constant 0 : i32
    %dma_start3A_25 = tpu.memref_slice %arg2[%add3A, %dma_start3A_22, %dma_start3A_23, %dma_start3A_24] : memref<32x800x1x128xi32, #tpu.memory_space<hbm>> -> memref<1x1x1x128xi32, #tpu.memory_space<hbm>>
    %dma_start3A_26 = tpu.memref_squeeze %dma_start3A_25 : memref<1x1x1x128xi32, #tpu.memory_space<hbm>> -> memref<1x128xi32, #tpu.memory_space<hbm>>
    %dma_start3A_27 = arith.constant 0 : i32
    %dma_start3A_28 = arith.constant 0 : i32
    %dma_start3A_29 = tpu.memref_slice %arg2[%add3A, %dma_start3A_22, %dma_start3A_27, %dma_start3A_28] : memref<32x800x1x128xi32, #tpu.memory_space<hbm>> -> memref<1x1x1x128xi32, #tpu.memory_space<hbm>>
    %dma_start3A_30 = tpu.memref_squeeze %dma_start3A_29 : memref<1x1x1x128xi32, #tpu.memory_space<hbm>> -> memref<1x128xi32, #tpu.memory_space<hbm>>
    tpu.enqueue_dma source(%dma_start3A_30 : memref<1x128xi32, #tpu.memory_space<hbm>>) target(%arg8 : memref<1x128xi32, #tpu.memory_space<vmem>>) target_semaphore(%arg16 : memref<!tpu.dma_semaphore, #tpu.memory_space<semaphore_mem>>)
    %dma_start3A_31 = arith.constant 3 : i32
    %dma_start3A_32 = arith.constant 0 : i32
    %dma_start3A_33 = arith.constant 0 : i32
    %dma_start3A_34 = tpu.memref_slice %arg2[%add3A, %dma_start3A_31, %dma_start3A_32, %dma_start3A_33] : memref<32x800x1x128xi32, #tpu.memory_space<hbm>> -> memref<1x1x1x128xi32, #tpu.memory_space<hbm>>
    %dma_start3A_35 = tpu.memref_squeeze %dma_start3A_34 : memref<1x1x1x128xi32, #tpu.memory_space<hbm>> -> memref<1x128xi32, #tpu.memory_space<hbm>>
    %dma_start3A_36 = arith.constant 0 : i32
    %dma_start3A_37 = arith.constant 0 : i32
    %dma_start3A_38 = tpu.memref_slice %arg2[%add3A, %dma_start3A_31, %dma_start3A_36, %dma_start3A_37] : memref<32x800x1x128xi32, #tpu.memory_space<hbm>> -> memref<1x1x1x128xi32, #tpu.memory_space<hbm>>
    %dma_start3A_39 = tpu.memref_squeeze %dma_start3A_38 : memref<1x1x1x128xi32, #tpu.memory_space<hbm>> -> memref<1x128xi32, #tpu.memory_space<hbm>>
    tpu.enqueue_dma source(%dma_start3A_39 : memref<1x128xi32, #tpu.memory_space<hbm>>) target(%arg9 : memref<1x128xi32, #tpu.memory_space<vmem>>) target_semaphore(%arg17 : memref<!tpu.dma_semaphore, #tpu.memory_space<semaphore_mem>>)
    %dma_wait3A = arith.constant 0 : i32
    %dma_wait3A_40 = arith.constant 0 : i32
    %dma_wait3A_41 = arith.constant 0 : i32
    %dma_wait3A_42 = tpu.memref_slice %arg2[%add3A, %dma_wait3A, %dma_wait3A_40, %dma_wait3A_41] : memref<32x800x1x128xi32, #tpu.memory_space<hbm>> -> memref<1x1x1x128xi32, #tpu.memory_space<hbm>>
    %dma_wait3A_43 = tpu.memref_squeeze %dma_wait3A_42 : memref<1x1x1x128xi32, #tpu.memory_space<hbm>> -> memref<1x128xi32, #tpu.memory_space<hbm>>
    %dma_wait3A_44 = arith.constant 0 : i32
    %dma_wait3A_45 = arith.constant 0 : i32
    %dma_wait3A_46 = tpu.memref_slice %arg2[%add3A, %dma_wait3A, %dma_wait3A_44, %dma_wait3A_45] : memref<32x800x1x128xi32, #tpu.memory_space<hbm>> -> memref<1x1x1x128xi32, #tpu.memory_space<hbm>>
    %dma_wait3A_47 = tpu.memref_squeeze %dma_wait3A_46 : memref<1x1x1x128xi32, #tpu.memory_space<hbm>> -> memref<1x128xi32, #tpu.memory_space<hbm>>
    tpu.wait_dma2 semaphore(%arg14 : memref<!tpu.dma_semaphore, #tpu.memory_space<semaphore_mem>>) src(%dma_wait3A_47 : memref<1x128xi32, #tpu.memory_space<hbm>>) dst(%arg6 : memref<1x128xi32, #tpu.memory_space<vmem>>)
    %dma_start3A_48 = arith.constant 0 : i32
    %dma_start3A_49 = arith.constant 0 : i32
    %dma_start3A_50 = tpu.memref_slice %arg6[%dma_start3A_48, %dma_start3A_49] : memref<1x128xi32, #tpu.memory_space<vmem>> -> memref<1x128xi32, #tpu.memory_space<vmem>>
    %dma_start3A_51 = tpu.memref_squeeze %dma_start3A_50 : memref<1x128xi32, #tpu.memory_space<vmem>> -> memref<128xi32, #tpu.memory_space<vmem>>
    %dma_start3A_52 = arith.constant 0 : i32
    %dma_start3A_53 = arith.constant 0 : i32
    %dma_start3A_54 = tpu.memref_slice %arg5[%dma_start3A_52, %dma_start3A_53] : memref<128x128xf32, #tpu.memory_space<vmem_shared>> -> memref<128x128xf32, #tpu.memory_space<vmem_shared>>
    tpu.enqueue_indirect_dma source(%dma_start3A_54 : memref<128x128xf32, #tpu.memory_space<vmem_shared>>) target(%arg10 : memref<128x128xf32, #tpu.memory_space<vmem>>) offsets(%dma_start3A_51 : memref<128xi32, #tpu.memory_space<vmem>>) semaphore(%arg18 : memref<!tpu.dma_semaphore, #tpu.memory_space<semaphore_mem>>)
    %scan3A = arith.constant 0 : i32
    %scan3A_55 = arith.constant 0 : i32
    %scan3A_56 = arith.constant 200 : i32
    %scan3A_57 = arith.addi %scan3A_55, %scan3A_56 : i32
    %scan3A_58 = arith.constant 1 : i32
    %scan3A_59 = scf.for %scan3A_85 = %scan3A_55 to %scan3A_57 step %scan3A_58 iter_args(%scan3A_86 = %scan3A) -> (i32)  : i32 {
      %mul3A_87 = arith.constant 4 : i32
      %mul3A_88 = arith.muli %mul3A_87, %scan3A_85 : i32
      %add3A_89 = arith.constant 0 : i32
      %add3A_90 = arith.addi %mul3A_88, %add3A_89 : i32
      %dma_wait3A_91 = arith.constant 0 : i32
      %dma_wait3A_92 = arith.constant 0 : i32
      %dma_wait3A_93 = tpu.memref_slice %arg6[%dma_wait3A_91, %dma_wait3A_92] : memref<1x128xi32, #tpu.memory_space<vmem>> -> memref<1x128xi32, #tpu.memory_space<vmem>>
      %dma_wait3A_94 = tpu.memref_squeeze %dma_wait3A_93 : memref<1x128xi32, #tpu.memory_space<vmem>> -> memref<128xi32, #tpu.memory_space<vmem>>
      %dma_wait3A_95 = arith.constant 0 : i32
      %dma_wait3A_96 = arith.constant 0 : i32
      %dma_wait3A_97 = tpu.memref_slice %arg5[%dma_wait3A_95, %dma_wait3A_96] : memref<128x128xf32, #tpu.memory_space<vmem_shared>> -> memref<128x128xf32, #tpu.memory_space<vmem_shared>>
      tpu.wait_indirect_dma semaphore(%arg18 : memref<!tpu.dma_semaphore, #tpu.memory_space<semaphore_mem>>) src(%dma_wait3A_97 : memref<128x128xf32, #tpu.memory_space<vmem_shared>>) dst(%arg10 : memref<128x128xf32, #tpu.memory_space<vmem>>)
      %mul3A_98 = arith.constant 128 : i32
      %mul3A_99 = arith.muli %add3A_90, %mul3A_98 : i32
      %add3A_100 = arith.addi %mul3A_2, %mul3A_99 : i32
      %dma_start3A_101 = arith.constant 0 : i32
      %dma_start3A_102 = tpu.memref_slice %arg4[%add3A_100, %dma_start3A_101] : memref<3276800x128xf32, #tpu.memory_space<hbm>> -> memref<128x128xf32, #tpu.memory_space<hbm>>
      %dma_start3A_103 = arith.constant 0 : i32
      %dma_start3A_104 = tpu.memref_slice %arg4[%add3A_100, %dma_start3A_103] : memref<3276800x128xf32, #tpu.memory_space<hbm>> -> memref<128x128xf32, #tpu.memory_space<hbm>>
      tpu.enqueue_dma source(%arg10 : memref<128x128xf32, #tpu.memory_space<vmem>>) target(%dma_start3A_104 : memref<128x128xf32, #tpu.memory_space<hbm>>) target_semaphore(%arg22 : memref<!tpu.dma_semaphore, #tpu.memory_space<semaphore_mem>>)
      %add3A_105 = arith.constant 4 : i32
      %add3A_106 = arith.addi %add3A_90, %add3A_105 : i32
      %lt3A = arith.constant 800 : i32
      %lt3A_107 = arith.cmpi slt, %add3A_106, %lt3A : i32
      %convert_element_type3A_108 = arith.extui %lt3A_107 : i1 to i32
      %cond3A_109 = arith.constant 0 : i32
      %cond3A_110 = arith.cmpi ne, %convert_element_type3A_108, %cond3A_109 : i32
      scf.if %cond3A_110 {
        %add3A_215 = arith.constant 4 : i32
        %add3A_216 = arith.addi %add3A_90, %add3A_215 : i32
        %dma_start3A_217 = arith.constant 0 : i32
        %dma_start3A_218 = arith.constant 0 : i32
        %dma_start3A_219 = tpu.memref_slice %arg2[%add3A, %add3A_216, %dma_start3A_217, %dma_start3A_218] : memref<32x800x1x128xi32, #tpu.memory_space<hbm>> -> memref<1x1x1x128xi32, #tpu.memory_space<hbm>>
        %dma_start3A_220 = tpu.memref_squeeze %dma_start3A_219 : memref<1x1x1x128xi32, #tpu.memory_space<hbm>> -> memref<1x128xi32, #tpu.memory_space<hbm>>
        %dma_start3A_221 = arith.constant 0 : i32
        %dma_start3A_222 = arith.constant 0 : i32
        %dma_start3A_223 = tpu.memref_slice %arg2[%add3A, %add3A_216, %dma_start3A_221, %dma_start3A_222] : memref<32x800x1x128xi32, #tpu.memory_space<hbm>> -> memref<1x1x1x128xi32, #tpu.memory_space<hbm>>
        %dma_start3A_224 = tpu.memref_squeeze %dma_start3A_223 : memref<1x1x1x128xi32, #tpu.memory_space<hbm>> -> memref<1x128xi32, #tpu.memory_space<hbm>>
        tpu.enqueue_dma source(%dma_start3A_224 : memref<1x128xi32, #tpu.memory_space<hbm>>) target(%arg6 : memref<1x128xi32, #tpu.memory_space<vmem>>) target_semaphore(%arg14 : memref<!tpu.dma_semaphore, #tpu.memory_space<semaphore_mem>>)
      } else {
      }
      %add3A_111 = arith.constant 1 : i32
      %add3A_112 = arith.addi %add3A_90, %add3A_111 : i32
      %lt3A_113 = arith.constant 800 : i32
      %lt3A_114 = arith.cmpi slt, %add3A_112, %lt3A_113 : i32
      %convert_element_type3A_115 = arith.extui %lt3A_114 : i1 to i32
      %cond3A_116 = arith.constant 0 : i32
      %cond3A_117 = arith.cmpi ne, %convert_element_type3A_115, %cond3A_116 : i32
      scf.if %cond3A_117 {
        %ge3A = arith.constant 3 : i32
        %ge3A_215 = arith.cmpi sge, %add3A_90, %ge3A : i32
        %convert_element_type3A_216 = arith.extui %ge3A_215 : i1 to i32
        %cond3A_217 = arith.constant 0 : i32
        %cond3A_218 = arith.cmpi ne, %convert_element_type3A_216, %cond3A_217 : i32
        scf.if %cond3A_218 {
          %add3A_236 = arith.constant 1 : i32
          %add3A_237 = arith.addi %add3A_90, %add3A_236 : i32
          %sub3A = arith.constant 4 : i32
          %sub3A_238 = arith.subi %add3A_237, %sub3A : i32
          %mul3A_239 = arith.constant 128 : i32
          %mul3A_240 = arith.muli %sub3A_238, %mul3A_239 : i32
          %add3A_241 = arith.addi %mul3A_2, %mul3A_240 : i32
          %dma_wait3A_242 = arith.constant 0 : i32
          %dma_wait3A_243 = tpu.memref_slice %arg4[%add3A_241, %dma_wait3A_242] : memref<3276800x128xf32, #tpu.memory_space<hbm>> -> memref<128x128xf32, #tpu.memory_space<hbm>>
          %dma_wait3A_244 = arith.constant 0 : i32
          %dma_wait3A_245 = tpu.memref_slice %arg4[%add3A_241, %dma_wait3A_244] : memref<3276800x128xf32, #tpu.memory_space<hbm>> -> memref<128x128xf32, #tpu.memory_space<hbm>>
          tpu.wait_dma2 semaphore(%arg23 : memref<!tpu.dma_semaphore, #tpu.memory_space<semaphore_mem>>) src(%arg11 : memref<128x128xf32, #tpu.memory_space<vmem>>) dst(%dma_wait3A_245 : memref<128x128xf32, #tpu.memory_space<hbm>>)
        } else {
        }
        %add3A_219 = arith.constant 1 : i32
        %add3A_220 = arith.addi %add3A_90, %add3A_219 : i32
        %dma_wait3A_221 = arith.constant 0 : i32
        %dma_wait3A_222 = arith.constant 0 : i32
        %dma_wait3A_223 = tpu.memref_slice %arg2[%add3A, %add3A_220, %dma_wait3A_221, %dma_wait3A_222] : memref<32x800x1x128xi32, #tpu.memory_space<hbm>> -> memref<1x1x1x128xi32, #tpu.memory_space<hbm>>
        %dma_wait3A_224 = tpu.memref_squeeze %dma_wait3A_223 : memref<1x1x1x128xi32, #tpu.memory_space<hbm>> -> memref<1x128xi32, #tpu.memory_space<hbm>>
        %dma_wait3A_225 = arith.constant 0 : i32
        %dma_wait3A_226 = arith.constant 0 : i32
        %dma_wait3A_227 = tpu.memref_slice %arg2[%add3A, %add3A_220, %dma_wait3A_225, %dma_wait3A_226] : memref<32x800x1x128xi32, #tpu.memory_space<hbm>> -> memref<1x1x1x128xi32, #tpu.memory_space<hbm>>
        %dma_wait3A_228 = tpu.memref_squeeze %dma_wait3A_227 : memref<1x1x1x128xi32, #tpu.memory_space<hbm>> -> memref<1x128xi32, #tpu.memory_space<hbm>>
        tpu.wait_dma2 semaphore(%arg15 : memref<!tpu.dma_semaphore, #tpu.memory_space<semaphore_mem>>) src(%dma_wait3A_228 : memref<1x128xi32, #tpu.memory_space<hbm>>) dst(%arg7 : memref<1x128xi32, #tpu.memory_space<vmem>>)
        %dma_start3A_229 = arith.constant 0 : i32
        %dma_start3A_230 = arith.constant 0 : i32
        %dma_start3A_231 = tpu.memref_slice %arg7[%dma_start3A_229, %dma_start3A_230] : memref<1x128xi32, #tpu.memory_space<vmem>> -> memref<1x128xi32, #tpu.memory_space<vmem>>
        %dma_start3A_232 = tpu.memref_squeeze %dma_start3A_231 : memref<1x128xi32, #tpu.memory_space<vmem>> -> memref<128xi32, #tpu.memory_space<vmem>>
        %dma_start3A_233 = arith.constant 0 : i32
        %dma_start3A_234 = arith.constant 0 : i32
        %dma_start3A_235 = tpu.memref_slice %arg5[%dma_start3A_233, %dma_start3A_234] : memref<128x128xf32, #tpu.memory_space<vmem_shared>> -> memref<128x128xf32, #tpu.memory_space<vmem_shared>>
        tpu.enqueue_indirect_dma source(%dma_start3A_235 : memref<128x128xf32, #tpu.memory_space<vmem_shared>>) target(%arg11 : memref<128x128xf32, #tpu.memory_space<vmem>>) offsets(%dma_start3A_232 : memref<128xi32, #tpu.memory_space<vmem>>) semaphore(%arg19 : memref<!tpu.dma_semaphore, #tpu.memory_space<semaphore_mem>>)
      } else {
      }
      %mul3A_118 = arith.constant 4 : i32
      %mul3A_119 = arith.muli %mul3A_118, %scan3A_85 : i32
      %add3A_120 = arith.constant 1 : i32
      %add3A_121 = arith.addi %mul3A_119, %add3A_120 : i32
      %dma_wait3A_122 = arith.constant 0 : i32
      %dma_wait3A_123 = arith.constant 0 : i32
      %dma_wait3A_124 = tpu.memref_slice %arg7[%dma_wait3A_122, %dma_wait3A_123] : memref<1x128xi32, #tpu.memory_space<vmem>> -> memref<1x128xi32, #tpu.memory_space<vmem>>
      %dma_wait3A_125 = tpu.memref_squeeze %dma_wait3A_124 : memref<1x128xi32, #tpu.memory_space<vmem>> -> memref<128xi32, #tpu.memory_space<vmem>>
      %dma_wait3A_126 = arith.constant 0 : i32
      %dma_wait3A_127 = arith.constant 0 : i32
      %dma_wait3A_128 = tpu.memref_slice %arg5[%dma_wait3A_126, %dma_wait3A_127] : memref<128x128xf32, #tpu.memory_space<vmem_shared>> -> memref<128x128xf32, #tpu.memory_space<vmem_shared>>
      tpu.wait_indirect_dma semaphore(%arg19 : memref<!tpu.dma_semaphore, #tpu.memory_space<semaphore_mem>>) src(%dma_wait3A_128 : memref<128x128xf32, #tpu.memory_space<vmem_shared>>) dst(%arg11 : memref<128x128xf32, #tpu.memory_space<vmem>>)
      %mul3A_129 = arith.constant 128 : i32
      %mul3A_130 = arith.muli %add3A_121, %mul3A_129 : i32
      %add3A_131 = arith.addi %mul3A_2, %mul3A_130 : i32
      %dma_start3A_132 = arith.constant 0 : i32
      %dma_start3A_133 = tpu.memref_slice %arg4[%add3A_131, %dma_start3A_132] : memref<3276800x128xf32, #tpu.memory_space<hbm>> -> memref<128x128xf32, #tpu.memory_space<hbm>>
      %dma_start3A_134 = arith.constant 0 : i32
      %dma_start3A_135 = tpu.memref_slice %arg4[%add3A_131, %dma_start3A_134] : memref<3276800x128xf32, #tpu.memory_space<hbm>> -> memref<128x128xf32, #tpu.memory_space<hbm>>
      tpu.enqueue_dma source(%arg11 : memref<128x128xf32, #tpu.memory_space<vmem>>) target(%dma_start3A_135 : memref<128x128xf32, #tpu.memory_space<hbm>>) target_semaphore(%arg23 : memref<!tpu.dma_semaphore, #tpu.memory_space<semaphore_mem>>)
      %add3A_136 = arith.constant 4 : i32
      %add3A_137 = arith.addi %add3A_121, %add3A_136 : i32
      %lt3A_138 = arith.constant 800 : i32
      %lt3A_139 = arith.cmpi slt, %add3A_137, %lt3A_138 : i32
      %convert_element_type3A_140 = arith.extui %lt3A_139 : i1 to i32
      %cond3A_141 = arith.constant 0 : i32
      %cond3A_142 = arith.cmpi ne, %convert_element_type3A_140, %cond3A_141 : i32
      scf.if %cond3A_142 {
        %add3A_215 = arith.constant 4 : i32
        %add3A_216 = arith.addi %add3A_121, %add3A_215 : i32
        %dma_start3A_217 = arith.constant 0 : i32
        %dma_start3A_218 = arith.constant 0 : i32
        %dma_start3A_219 = tpu.memref_slice %arg2[%add3A, %add3A_216, %dma_start3A_217, %dma_start3A_218] : memref<32x800x1x128xi32, #tpu.memory_space<hbm>> -> memref<1x1x1x128xi32, #tpu.memory_space<hbm>>
        %dma_start3A_220 = tpu.memref_squeeze %dma_start3A_219 : memref<1x1x1x128xi32, #tpu.memory_space<hbm>> -> memref<1x128xi32, #tpu.memory_space<hbm>>
        %dma_start3A_221 = arith.constant 0 : i32
        %dma_start3A_222 = arith.constant 0 : i32
        %dma_start3A_223 = tpu.memref_slice %arg2[%add3A, %add3A_216, %dma_start3A_221, %dma_start3A_222] : memref<32x800x1x128xi32, #tpu.memory_space<hbm>> -> memref<1x1x1x128xi32, #tpu.memory_space<hbm>>
        %dma_start3A_224 = tpu.memref_squeeze %dma_start3A_223 : memref<1x1x1x128xi32, #tpu.memory_space<hbm>> -> memref<1x128xi32, #tpu.memory_space<hbm>>
        tpu.enqueue_dma source(%dma_start3A_224 : memref<1x128xi32, #tpu.memory_space<hbm>>) target(%arg7 : memref<1x128xi32, #tpu.memory_space<vmem>>) target_semaphore(%arg15 : memref<!tpu.dma_semaphore, #tpu.memory_space<semaphore_mem>>)
      } else {
      }
      %add3A_143 = arith.constant 1 : i32
      %add3A_144 = arith.addi %add3A_121, %add3A_143 : i32
      %lt3A_145 = arith.constant 800 : i32
      %lt3A_146 = arith.cmpi slt, %add3A_144, %lt3A_145 : i32
      %convert_element_type3A_147 = arith.extui %lt3A_146 : i1 to i32
      %cond3A_148 = arith.constant 0 : i32
      %cond3A_149 = arith.cmpi ne, %convert_element_type3A_147, %cond3A_148 : i32
      scf.if %cond3A_149 {
        %ge3A = arith.constant 3 : i32
        %ge3A_215 = arith.cmpi sge, %add3A_121, %ge3A : i32
        %convert_element_type3A_216 = arith.extui %ge3A_215 : i1 to i32
        %cond3A_217 = arith.constant 0 : i32
        %cond3A_218 = arith.cmpi ne, %convert_element_type3A_216, %cond3A_217 : i32
        scf.if %cond3A_218 {
          %add3A_236 = arith.constant 1 : i32
          %add3A_237 = arith.addi %add3A_121, %add3A_236 : i32
          %sub3A = arith.constant 4 : i32
          %sub3A_238 = arith.subi %add3A_237, %sub3A : i32
          %mul3A_239 = arith.constant 128 : i32
          %mul3A_240 = arith.muli %sub3A_238, %mul3A_239 : i32
          %add3A_241 = arith.addi %mul3A_2, %mul3A_240 : i32
          %dma_wait3A_242 = arith.constant 0 : i32
          %dma_wait3A_243 = tpu.memref_slice %arg4[%add3A_241, %dma_wait3A_242] : memref<3276800x128xf32, #tpu.memory_space<hbm>> -> memref<128x128xf32, #tpu.memory_space<hbm>>
          %dma_wait3A_244 = arith.constant 0 : i32
          %dma_wait3A_245 = tpu.memref_slice %arg4[%add3A_241, %dma_wait3A_244] : memref<3276800x128xf32, #tpu.memory_space<hbm>> -> memref<128x128xf32, #tpu.memory_space<hbm>>
          tpu.wait_dma2 semaphore(%arg24 : memref<!tpu.dma_semaphore, #tpu.memory_space<semaphore_mem>>) src(%arg12 : memref<128x128xf32, #tpu.memory_space<vmem>>) dst(%dma_wait3A_245 : memref<128x128xf32, #tpu.memory_space<hbm>>)
        } else {
        }
        %add3A_219 = arith.constant 1 : i32
        %add3A_220 = arith.addi %add3A_121, %add3A_219 : i32
        %dma_wait3A_221 = arith.constant 0 : i32
        %dma_wait3A_222 = arith.constant 0 : i32
        %dma_wait3A_223 = tpu.memref_slice %arg2[%add3A, %add3A_220, %dma_wait3A_221, %dma_wait3A_222] : memref<32x800x1x128xi32, #tpu.memory_space<hbm>> -> memref<1x1x1x128xi32, #tpu.memory_space<hbm>>
        %dma_wait3A_224 = tpu.memref_squeeze %dma_wait3A_223 : memref<1x1x1x128xi32, #tpu.memory_space<hbm>> -> memref<1x128xi32, #tpu.memory_space<hbm>>
        %dma_wait3A_225 = arith.constant 0 : i32
        %dma_wait3A_226 = arith.constant 0 : i32
        %dma_wait3A_227 = tpu.memref_slice %arg2[%add3A, %add3A_220, %dma_wait3A_225, %dma_wait3A_226] : memref<32x800x1x128xi32, #tpu.memory_space<hbm>> -> memref<1x1x1x128xi32, #tpu.memory_space<hbm>>
        %dma_wait3A_228 = tpu.memref_squeeze %dma_wait3A_227 : memref<1x1x1x128xi32, #tpu.memory_space<hbm>> -> memref<1x128xi32, #tpu.memory_space<hbm>>
        tpu.wait_dma2 semaphore(%arg16 : memref<!tpu.dma_semaphore, #tpu.memory_space<semaphore_mem>>) src(%dma_wait3A_228 : memref<1x128xi32, #tpu.memory_space<hbm>>) dst(%arg8 : memref<1x128xi32, #tpu.memory_space<vmem>>)
        %dma_start3A_229 = arith.constant 0 : i32
        %dma_start3A_230 = arith.constant 0 : i32
        %dma_start3A_231 = tpu.memref_slice %arg8[%dma_start3A_229, %dma_start3A_230] : memref<1x128xi32, #tpu.memory_space<vmem>> -> memref<1x128xi32, #tpu.memory_space<vmem>>
        %dma_start3A_232 = tpu.memref_squeeze %dma_start3A_231 : memref<1x128xi32, #tpu.memory_space<vmem>> -> memref<128xi32, #tpu.memory_space<vmem>>
        %dma_start3A_233 = arith.constant 0 : i32
        %dma_start3A_234 = arith.constant 0 : i32
        %dma_start3A_235 = tpu.memref_slice %arg5[%dma_start3A_233, %dma_start3A_234] : memref<128x128xf32, #tpu.memory_space<vmem_shared>> -> memref<128x128xf32, #tpu.memory_space<vmem_shared>>
        tpu.enqueue_indirect_dma source(%dma_start3A_235 : memref<128x128xf32, #tpu.memory_space<vmem_shared>>) target(%arg12 : memref<128x128xf32, #tpu.memory_space<vmem>>) offsets(%dma_start3A_232 : memref<128xi32, #tpu.memory_space<vmem>>) semaphore(%arg20 : memref<!tpu.dma_semaphore, #tpu.memory_space<semaphore_mem>>)
      } else {
      }
      %mul3A_150 = arith.constant 4 : i32
      %mul3A_151 = arith.muli %mul3A_150, %scan3A_85 : i32
      %add3A_152 = arith.constant 2 : i32
      %add3A_153 = arith.addi %mul3A_151, %add3A_152 : i32
      %dma_wait3A_154 = arith.constant 0 : i32
      %dma_wait3A_155 = arith.constant 0 : i32
      %dma_wait3A_156 = tpu.memref_slice %arg8[%dma_wait3A_154, %dma_wait3A_155] : memref<1x128xi32, #tpu.memory_space<vmem>> -> memref<1x128xi32, #tpu.memory_space<vmem>>
      %dma_wait3A_157 = tpu.memref_squeeze %dma_wait3A_156 : memref<1x128xi32, #tpu.memory_space<vmem>> -> memref<128xi32, #tpu.memory_space<vmem>>
      %dma_wait3A_158 = arith.constant 0 : i32
      %dma_wait3A_159 = arith.constant 0 : i32
      %dma_wait3A_160 = tpu.memref_slice %arg5[%dma_wait3A_158, %dma_wait3A_159] : memref<128x128xf32, #tpu.memory_space<vmem_shared>> -> memref<128x128xf32, #tpu.memory_space<vmem_shared>>
      tpu.wait_indirect_dma semaphore(%arg20 : memref<!tpu.dma_semaphore, #tpu.memory_space<semaphore_mem>>) src(%dma_wait3A_160 : memref<128x128xf32, #tpu.memory_space<vmem_shared>>) dst(%arg12 : memref<128x128xf32, #tpu.memory_space<vmem>>)
      %mul3A_161 = arith.constant 128 : i32
      %mul3A_162 = arith.muli %add3A_153, %mul3A_161 : i32
      %add3A_163 = arith.addi %mul3A_2, %mul3A_162 : i32
      %dma_start3A_164 = arith.constant 0 : i32
      %dma_start3A_165 = tpu.memref_slice %arg4[%add3A_163, %dma_start3A_164] : memref<3276800x128xf32, #tpu.memory_space<hbm>> -> memref<128x128xf32, #tpu.memory_space<hbm>>
      %dma_start3A_166 = arith.constant 0 : i32
      %dma_start3A_167 = tpu.memref_slice %arg4[%add3A_163, %dma_start3A_166] : memref<3276800x128xf32, #tpu.memory_space<hbm>> -> memref<128x128xf32, #tpu.memory_space<hbm>>
      tpu.enqueue_dma source(%arg12 : memref<128x128xf32, #tpu.memory_space<vmem>>) target(%dma_start3A_167 : memref<128x128xf32, #tpu.memory_space<hbm>>) target_semaphore(%arg24 : memref<!tpu.dma_semaphore, #tpu.memory_space<semaphore_mem>>)
      %add3A_168 = arith.constant 4 : i32
      %add3A_169 = arith.addi %add3A_153, %add3A_168 : i32
      %lt3A_170 = arith.constant 800 : i32
      %lt3A_171 = arith.cmpi slt, %add3A_169, %lt3A_170 : i32
      %convert_element_type3A_172 = arith.extui %lt3A_171 : i1 to i32
      %cond3A_173 = arith.constant 0 : i32
      %cond3A_174 = arith.cmpi ne, %convert_element_type3A_172, %cond3A_173 : i32
      scf.if %cond3A_174 {
        %add3A_215 = arith.constant 4 : i32
        %add3A_216 = arith.addi %add3A_153, %add3A_215 : i32
        %dma_start3A_217 = arith.constant 0 : i32
        %dma_start3A_218 = arith.constant 0 : i32
        %dma_start3A_219 = tpu.memref_slice %arg2[%add3A, %add3A_216, %dma_start3A_217, %dma_start3A_218] : memref<32x800x1x128xi32, #tpu.memory_space<hbm>> -> memref<1x1x1x128xi32, #tpu.memory_space<hbm>>
        %dma_start3A_220 = tpu.memref_squeeze %dma_start3A_219 : memref<1x1x1x128xi32, #tpu.memory_space<hbm>> -> memref<1x128xi32, #tpu.memory_space<hbm>>
        %dma_start3A_221 = arith.constant 0 : i32
        %dma_start3A_222 = arith.constant 0 : i32
        %dma_start3A_223 = tpu.memref_slice %arg2[%add3A, %add3A_216, %dma_start3A_221, %dma_start3A_222] : memref<32x800x1x128xi32, #tpu.memory_space<hbm>> -> memref<1x1x1x128xi32, #tpu.memory_space<hbm>>
        %dma_start3A_224 = tpu.memref_squeeze %dma_start3A_223 : memref<1x1x1x128xi32, #tpu.memory_space<hbm>> -> memref<1x128xi32, #tpu.memory_space<hbm>>
        tpu.enqueue_dma source(%dma_start3A_224 : memref<1x128xi32, #tpu.memory_space<hbm>>) target(%arg8 : memref<1x128xi32, #tpu.memory_space<vmem>>) target_semaphore(%arg16 : memref<!tpu.dma_semaphore, #tpu.memory_space<semaphore_mem>>)
      } else {
      }
      %add3A_175 = arith.constant 1 : i32
      %add3A_176 = arith.addi %add3A_153, %add3A_175 : i32
      %lt3A_177 = arith.constant 800 : i32
      %lt3A_178 = arith.cmpi slt, %add3A_176, %lt3A_177 : i32
      %convert_element_type3A_179 = arith.extui %lt3A_178 : i1 to i32
      %cond3A_180 = arith.constant 0 : i32
      %cond3A_181 = arith.cmpi ne, %convert_element_type3A_179, %cond3A_180 : i32
      scf.if %cond3A_181 {
        %ge3A = arith.constant 3 : i32
        %ge3A_215 = arith.cmpi sge, %add3A_153, %ge3A : i32
        %convert_element_type3A_216 = arith.extui %ge3A_215 : i1 to i32
        %cond3A_217 = arith.constant 0 : i32
        %cond3A_218 = arith.cmpi ne, %convert_element_type3A_216, %cond3A_217 : i32
        scf.if %cond3A_218 {
          %add3A_236 = arith.constant 1 : i32
          %add3A_237 = arith.addi %add3A_153, %add3A_236 : i32
          %sub3A = arith.constant 4 : i32
          %sub3A_238 = arith.subi %add3A_237, %sub3A : i32
          %mul3A_239 = arith.constant 128 : i32
          %mul3A_240 = arith.muli %sub3A_238, %mul3A_239 : i32
          %add3A_241 = arith.addi %mul3A_2, %mul3A_240 : i32
          %dma_wait3A_242 = arith.constant 0 : i32
          %dma_wait3A_243 = tpu.memref_slice %arg4[%add3A_241, %dma_wait3A_242] : memref<3276800x128xf32, #tpu.memory_space<hbm>> -> memref<128x128xf32, #tpu.memory_space<hbm>>
          %dma_wait3A_244 = arith.constant 0 : i32
          %dma_wait3A_245 = tpu.memref_slice %arg4[%add3A_241, %dma_wait3A_244] : memref<3276800x128xf32, #tpu.memory_space<hbm>> -> memref<128x128xf32, #tpu.memory_space<hbm>>
          tpu.wait_dma2 semaphore(%arg25 : memref<!tpu.dma_semaphore, #tpu.memory_space<semaphore_mem>>) src(%arg13 : memref<128x128xf32, #tpu.memory_space<vmem>>) dst(%dma_wait3A_245 : memref<128x128xf32, #tpu.memory_space<hbm>>)
        } else {
        }
        %add3A_219 = arith.constant 1 : i32
        %add3A_220 = arith.addi %add3A_153, %add3A_219 : i32
        %dma_wait3A_221 = arith.constant 0 : i32
        %dma_wait3A_222 = arith.constant 0 : i32
        %dma_wait3A_223 = tpu.memref_slice %arg2[%add3A, %add3A_220, %dma_wait3A_221, %dma_wait3A_222] : memref<32x800x1x128xi32, #tpu.memory_space<hbm>> -> memref<1x1x1x128xi32, #tpu.memory_space<hbm>>
        %dma_wait3A_224 = tpu.memref_squeeze %dma_wait3A_223 : memref<1x1x1x128xi32, #tpu.memory_space<hbm>> -> memref<1x128xi32, #tpu.memory_space<hbm>>
        %dma_wait3A_225 = arith.constant 0 : i32
        %dma_wait3A_226 = arith.constant 0 : i32
        %dma_wait3A_227 = tpu.memref_slice %arg2[%add3A, %add3A_220, %dma_wait3A_225, %dma_wait3A_226] : memref<32x800x1x128xi32, #tpu.memory_space<hbm>> -> memref<1x1x1x128xi32, #tpu.memory_space<hbm>>
        %dma_wait3A_228 = tpu.memref_squeeze %dma_wait3A_227 : memref<1x1x1x128xi32, #tpu.memory_space<hbm>> -> memref<1x128xi32, #tpu.memory_space<hbm>>
        tpu.wait_dma2 semaphore(%arg17 : memref<!tpu.dma_semaphore, #tpu.memory_space<semaphore_mem>>) src(%dma_wait3A_228 : memref<1x128xi32, #tpu.memory_space<hbm>>) dst(%arg9 : memref<1x128xi32, #tpu.memory_space<vmem>>)
        %dma_start3A_229 = arith.constant 0 : i32
        %dma_start3A_230 = arith.constant 0 : i32
        %dma_start3A_231 = tpu.memref_slice %arg9[%dma_start3A_229, %dma_start3A_230] : memref<1x128xi32, #tpu.memory_space<vmem>> -> memref<1x128xi32, #tpu.memory_space<vmem>>
        %dma_start3A_232 = tpu.memref_squeeze %dma_start3A_231 : memref<1x128xi32, #tpu.memory_space<vmem>> -> memref<128xi32, #tpu.memory_space<vmem>>
        %dma_start3A_233 = arith.constant 0 : i32
        %dma_start3A_234 = arith.constant 0 : i32
        %dma_start3A_235 = tpu.memref_slice %arg5[%dma_start3A_233, %dma_start3A_234] : memref<128x128xf32, #tpu.memory_space<vmem_shared>> -> memref<128x128xf32, #tpu.memory_space<vmem_shared>>
        tpu.enqueue_indirect_dma source(%dma_start3A_235 : memref<128x128xf32, #tpu.memory_space<vmem_shared>>) target(%arg13 : memref<128x128xf32, #tpu.memory_space<vmem>>) offsets(%dma_start3A_232 : memref<128xi32, #tpu.memory_space<vmem>>) semaphore(%arg21 : memref<!tpu.dma_semaphore, #tpu.memory_space<semaphore_mem>>)
      } else {
      }
      %mul3A_182 = arith.constant 4 : i32
      %mul3A_183 = arith.muli %mul3A_182, %scan3A_85 : i32
      %add3A_184 = arith.constant 3 : i32
      %add3A_185 = arith.addi %mul3A_183, %add3A_184 : i32
      %dma_wait3A_186 = arith.constant 0 : i32
      %dma_wait3A_187 = arith.constant 0 : i32
      %dma_wait3A_188 = tpu.memref_slice %arg9[%dma_wait3A_186, %dma_wait3A_187] : memref<1x128xi32, #tpu.memory_space<vmem>> -> memref<1x128xi32, #tpu.memory_space<vmem>>
      %dma_wait3A_189 = tpu.memref_squeeze %dma_wait3A_188 : memref<1x128xi32, #tpu.memory_space<vmem>> -> memref<128xi32, #tpu.memory_space<vmem>>
      %dma_wait3A_190 = arith.constant 0 : i32
      %dma_wait3A_191 = arith.constant 0 : i32
      %dma_wait3A_192 = tpu.memref_slice %arg5[%dma_wait3A_190, %dma_wait3A_191] : memref<128x128xf32, #tpu.memory_space<vmem_shared>> -> memref<128x128xf32, #tpu.memory_space<vmem_shared>>
      tpu.wait_indirect_dma semaphore(%arg21 : memref<!tpu.dma_semaphore, #tpu.memory_space<semaphore_mem>>) src(%dma_wait3A_192 : memref<128x128xf32, #tpu.memory_space<vmem_shared>>) dst(%arg13 : memref<128x128xf32, #tpu.memory_space<vmem>>)
      %mul3A_193 = arith.constant 128 : i32
      %mul3A_194 = arith.muli %add3A_185, %mul3A_193 : i32
      %add3A_195 = arith.addi %mul3A_2, %mul3A_194 : i32
      %dma_start3A_196 = arith.constant 0 : i32
      %dma_start3A_197 = tpu.memref_slice %arg4[%add3A_195, %dma_start3A_196] : memref<3276800x128xf32, #tpu.memory_space<hbm>> -> memref<128x128xf32, #tpu.memory_space<hbm>>
      %dma_start3A_198 = arith.constant 0 : i32
      %dma_start3A_199 = tpu.memref_slice %arg4[%add3A_195, %dma_start3A_198] : memref<3276800x128xf32, #tpu.memory_space<hbm>> -> memref<128x128xf32, #tpu.memory_space<hbm>>
      tpu.enqueue_dma source(%arg13 : memref<128x128xf32, #tpu.memory_space<vmem>>) target(%dma_start3A_199 : memref<128x128xf32, #tpu.memory_space<hbm>>) target_semaphore(%arg25 : memref<!tpu.dma_semaphore, #tpu.memory_space<semaphore_mem>>)
      %add3A_200 = arith.constant 4 : i32
      %add3A_201 = arith.addi %add3A_185, %add3A_200 : i32
      %lt3A_202 = arith.constant 800 : i32
      %lt3A_203 = arith.cmpi slt, %add3A_201, %lt3A_202 : i32
      %convert_element_type3A_204 = arith.extui %lt3A_203 : i1 to i32
      %cond3A_205 = arith.constant 0 : i32
      %cond3A_206 = arith.cmpi ne, %convert_element_type3A_204, %cond3A_205 : i32
      scf.if %cond3A_206 {
        %add3A_215 = arith.constant 4 : i32
        %add3A_216 = arith.addi %add3A_185, %add3A_215 : i32
        %dma_start3A_217 = arith.constant 0 : i32
        %dma_start3A_218 = arith.constant 0 : i32
        %dma_start3A_219 = tpu.memref_slice %arg2[%add3A, %add3A_216, %dma_start3A_217, %dma_start3A_218] : memref<32x800x1x128xi32, #tpu.memory_space<hbm>> -> memref<1x1x1x128xi32, #tpu.memory_space<hbm>>
        %dma_start3A_220 = tpu.memref_squeeze %dma_start3A_219 : memref<1x1x1x128xi32, #tpu.memory_space<hbm>> -> memref<1x128xi32, #tpu.memory_space<hbm>>
        %dma_start3A_221 = arith.constant 0 : i32
        %dma_start3A_222 = arith.constant 0 : i32
        %dma_start3A_223 = tpu.memref_slice %arg2[%add3A, %add3A_216, %dma_start3A_221, %dma_start3A_222] : memref<32x800x1x128xi32, #tpu.memory_space<hbm>> -> memref<1x1x1x128xi32, #tpu.memory_space<hbm>>
        %dma_start3A_224 = tpu.memref_squeeze %dma_start3A_223 : memref<1x1x1x128xi32, #tpu.memory_space<hbm>> -> memref<1x128xi32, #tpu.memory_space<hbm>>
        tpu.enqueue_dma source(%dma_start3A_224 : memref<1x128xi32, #tpu.memory_space<hbm>>) target(%arg9 : memref<1x128xi32, #tpu.memory_space<vmem>>) target_semaphore(%arg17 : memref<!tpu.dma_semaphore, #tpu.memory_space<semaphore_mem>>)
      } else {
      }
      %add3A_207 = arith.constant 1 : i32
      %add3A_208 = arith.addi %add3A_185, %add3A_207 : i32
      %lt3A_209 = arith.constant 800 : i32
      %lt3A_210 = arith.cmpi slt, %add3A_208, %lt3A_209 : i32
      %convert_element_type3A_211 = arith.extui %lt3A_210 : i1 to i32
      %cond3A_212 = arith.constant 0 : i32
      %cond3A_213 = arith.cmpi ne, %convert_element_type3A_211, %cond3A_212 : i32
      scf.if %cond3A_213 {
        %ge3A = arith.constant 3 : i32
        %ge3A_215 = arith.cmpi sge, %add3A_185, %ge3A : i32
        %convert_element_type3A_216 = arith.extui %ge3A_215 : i1 to i32
        %cond3A_217 = arith.constant 0 : i32
        %cond3A_218 = arith.cmpi ne, %convert_element_type3A_216, %cond3A_217 : i32
        scf.if %cond3A_218 {
          %add3A_236 = arith.constant 1 : i32
          %add3A_237 = arith.addi %add3A_185, %add3A_236 : i32
          %sub3A = arith.constant 4 : i32
          %sub3A_238 = arith.subi %add3A_237, %sub3A : i32
          %mul3A_239 = arith.constant 128 : i32
          %mul3A_240 = arith.muli %sub3A_238, %mul3A_239 : i32
          %add3A_241 = arith.addi %mul3A_2, %mul3A_240 : i32
          %dma_wait3A_242 = arith.constant 0 : i32
          %dma_wait3A_243 = tpu.memref_slice %arg4[%add3A_241, %dma_wait3A_242] : memref<3276800x128xf32, #tpu.memory_space<hbm>> -> memref<128x128xf32, #tpu.memory_space<hbm>>
          %dma_wait3A_244 = arith.constant 0 : i32
          %dma_wait3A_245 = tpu.memref_slice %arg4[%add3A_241, %dma_wait3A_244] : memref<3276800x128xf32, #tpu.memory_space<hbm>> -> memref<128x128xf32, #tpu.memory_space<hbm>>
          tpu.wait_dma2 semaphore(%arg22 : memref<!tpu.dma_semaphore, #tpu.memory_space<semaphore_mem>>) src(%arg10 : memref<128x128xf32, #tpu.memory_space<vmem>>) dst(%dma_wait3A_245 : memref<128x128xf32, #tpu.memory_space<hbm>>)
        } else {
        }
        %add3A_219 = arith.constant 1 : i32
        %add3A_220 = arith.addi %add3A_185, %add3A_219 : i32
        %dma_wait3A_221 = arith.constant 0 : i32
        %dma_wait3A_222 = arith.constant 0 : i32
        %dma_wait3A_223 = tpu.memref_slice %arg2[%add3A, %add3A_220, %dma_wait3A_221, %dma_wait3A_222] : memref<32x800x1x128xi32, #tpu.memory_space<hbm>> -> memref<1x1x1x128xi32, #tpu.memory_space<hbm>>
        %dma_wait3A_224 = tpu.memref_squeeze %dma_wait3A_223 : memref<1x1x1x128xi32, #tpu.memory_space<hbm>> -> memref<1x128xi32, #tpu.memory_space<hbm>>
        %dma_wait3A_225 = arith.constant 0 : i32
        %dma_wait3A_226 = arith.constant 0 : i32
        %dma_wait3A_227 = tpu.memref_slice %arg2[%add3A, %add3A_220, %dma_wait3A_225, %dma_wait3A_226] : memref<32x800x1x128xi32, #tpu.memory_space<hbm>> -> memref<1x1x1x128xi32, #tpu.memory_space<hbm>>
        %dma_wait3A_228 = tpu.memref_squeeze %dma_wait3A_227 : memref<1x1x1x128xi32, #tpu.memory_space<hbm>> -> memref<1x128xi32, #tpu.memory_space<hbm>>
        tpu.wait_dma2 semaphore(%arg14 : memref<!tpu.dma_semaphore, #tpu.memory_space<semaphore_mem>>) src(%dma_wait3A_228 : memref<1x128xi32, #tpu.memory_space<hbm>>) dst(%arg6 : memref<1x128xi32, #tpu.memory_space<vmem>>)
        %dma_start3A_229 = arith.constant 0 : i32
        %dma_start3A_230 = arith.constant 0 : i32
        %dma_start3A_231 = tpu.memref_slice %arg6[%dma_start3A_229, %dma_start3A_230] : memref<1x128xi32, #tpu.memory_space<vmem>> -> memref<1x128xi32, #tpu.memory_space<vmem>>
        %dma_start3A_232 = tpu.memref_squeeze %dma_start3A_231 : memref<1x128xi32, #tpu.memory_space<vmem>> -> memref<128xi32, #tpu.memory_space<vmem>>
        %dma_start3A_233 = arith.constant 0 : i32
        %dma_start3A_234 = arith.constant 0 : i32
        %dma_start3A_235 = tpu.memref_slice %arg5[%dma_start3A_233, %dma_start3A_234] : memref<128x128xf32, #tpu.memory_space<vmem_shared>> -> memref<128x128xf32, #tpu.memory_space<vmem_shared>>
        tpu.enqueue_indirect_dma source(%dma_start3A_235 : memref<128x128xf32, #tpu.memory_space<vmem_shared>>) target(%arg10 : memref<128x128xf32, #tpu.memory_space<vmem>>) offsets(%dma_start3A_232 : memref<128xi32, #tpu.memory_space<vmem>>) semaphore(%arg18 : memref<!tpu.dma_semaphore, #tpu.memory_space<semaphore_mem>>)
      } else {
      }
      %scan3A_214 = arith.constant 0 : i32
      scf.yield %scan3A_214 : i32
    }
    %scan3A_60 = arith.constant 200 : i32
    %add3A_61 = arith.constant 101888 : i32
    %add3A_62 = arith.addi %mul3A_2, %add3A_61 : i32
    %dma_wait3A_63 = arith.constant 0 : i32
    %dma_wait3A_64 = tpu.memref_slice %arg4[%add3A_62, %dma_wait3A_63] : memref<3276800x128xf32, #tpu.memory_space<hbm>> -> memref<128x128xf32, #tpu.memory_space<hbm>>
    %dma_wait3A_65 = arith.constant 0 : i32
    %dma_wait3A_66 = tpu.memref_slice %arg4[%add3A_62, %dma_wait3A_65] : memref<3276800x128xf32, #tpu.memory_space<hbm>> -> memref<128x128xf32, #tpu.memory_space<hbm>>
    tpu.wait_dma2 semaphore(%arg22 : memref<!tpu.dma_semaphore, #tpu.memory_space<semaphore_mem>>) src(%arg10 : memref<128x128xf32, #tpu.memory_space<vmem>>) dst(%dma_wait3A_66 : memref<128x128xf32, #tpu.memory_space<hbm>>)
    %add3A_67 = arith.constant 102016 : i32
    %add3A_68 = arith.addi %mul3A_2, %add3A_67 : i32
    %dma_wait3A_69 = arith.constant 0 : i32
    %dma_wait3A_70 = tpu.memref_slice %arg4[%add3A_68, %dma_wait3A_69] : memref<3276800x128xf32, #tpu.memory_space<hbm>> -> memref<128x128xf32, #tpu.memory_space<hbm>>
    %dma_wait3A_71 = arith.constant 0 : i32
    %dma_wait3A_72 = tpu.memref_slice %arg4[%add3A_68, %dma_wait3A_71] : memref<3276800x128xf32, #tpu.memory_space<hbm>> -> memref<128x128xf32, #tpu.memory_space<hbm>>
    tpu.wait_dma2 semaphore(%arg23 : memref<!tpu.dma_semaphore, #tpu.memory_space<semaphore_mem>>) src(%arg11 : memref<128x128xf32, #tpu.memory_space<vmem>>) dst(%dma_wait3A_72 : memref<128x128xf32, #tpu.memory_space<hbm>>)
    %add3A_73 = arith.constant 102144 : i32
    %add3A_74 = arith.addi %mul3A_2, %add3A_73 : i32
    %dma_wait3A_75 = arith.constant 0 : i32
    %dma_wait3A_76 = tpu.memref_slice %arg4[%add3A_74, %dma_wait3A_75] : memref<3276800x128xf32, #tpu.memory_space<hbm>> -> memref<128x128xf32, #tpu.memory_space<hbm>>
    %dma_wait3A_77 = arith.constant 0 : i32
    %dma_wait3A_78 = tpu.memref_slice %arg4[%add3A_74, %dma_wait3A_77] : memref<3276800x128xf32, #tpu.memory_space<hbm>> -> memref<128x128xf32, #tpu.memory_space<hbm>>
    tpu.wait_dma2 semaphore(%arg24 : memref<!tpu.dma_semaphore, #tpu.memory_space<semaphore_mem>>) src(%arg12 : memref<128x128xf32, #tpu.memory_space<vmem>>) dst(%dma_wait3A_78 : memref<128x128xf32, #tpu.memory_space<hbm>>)
    %add3A_79 = arith.constant 102272 : i32
    %add3A_80 = arith.addi %mul3A_2, %add3A_79 : i32
    %dma_wait3A_81 = arith.constant 0 : i32
    %dma_wait3A_82 = tpu.memref_slice %arg4[%add3A_80, %dma_wait3A_81] : memref<3276800x128xf32, #tpu.memory_space<hbm>> -> memref<128x128xf32, #tpu.memory_space<hbm>>
    %dma_wait3A_83 = arith.constant 0 : i32
    %dma_wait3A_84 = tpu.memref_slice %arg4[%add3A_80, %dma_wait3A_83] : memref<3276800x128xf32, #tpu.memory_space<hbm>> -> memref<128x128xf32, #tpu.memory_space<hbm>>
    tpu.wait_dma2 semaphore(%arg25 : memref<!tpu.dma_semaphore, #tpu.memory_space<semaphore_mem>>) src(%arg13 : memref<128x128xf32, #tpu.memory_space<vmem>>) dst(%dma_wait3A_84 : memref<128x128xf32, #tpu.memory_space<hbm>>)
    return
  }
}

</mosaic_0001>

<sc_bundles>
// kernel: kernel.3.cloned.1.call-start
scs
__scs_entry_jumppad:
0x0: {  	(pc) =	sbr.rel $0x88, $3  }
0x1: {  	(tag) =	ssettag $0x0;
	lr =	simm.s32 $0x1  }
0x2: {  	[smem:$0x3F9F] =	sst lr;
	_ =	strace $0xD0000000  }
0x3: {  	_ = 	snop  }
0x4: {  	_ = 	snop  }
0x5: {  	_ = 	snop  }
0x6: {  	_ = 	snop  }
0x7: {  	_ = 	snop  }
__scs_overlays_trampoline_lowered:
0x8: {  	[smem:$0x3FAE] =	sst s0  }
0x9: {  	[smem:$0x3FAF] =	sst s1  }
0xa: {  	[smem:$0x3FB0] =	sst s2  }
0xb: {  	[smem:$0x3FB1] =	sst s3  }
0xc: {  	[smem:$0x3FB2] =	sst s4  }
0xd: {  	[smem:$0x3FB3] =	sst s5  }
0xe: {  	[smem:$0x3FB4] =	sst s6  }
0xf: {  	[smem:$0x3FB5] =	sst s7  }
0x10: {  	[smem:$0x3FB6] =	sst s8  }
0x11: {  	[smem:$0x3FB7] =	sst s9;
	s0 =	simm.s32 @!p0 $0x0  }
0x12: {  	s1 =	sld [smem:$0x3F9D];
	s0 =	simm.s32 @p0 $0x1  }
0x13: {  	[smem:$0x3FB8] =	sst s0;
	s0 =	simm.s32 @!p1 $0x0  }
0x14: {  	s2 =	sld [smem:$0x3F9C];
	s0 =	simm.s32 @p1 $0x1  }
0x15: {  	[smem:$0x3FB9] =	sst s0;
	s0 =	simm.s32 @!p2 $0x0  }
0x16: {  	s3 =	sld [smem:$0x3FDB];
	s0 =	simm.s32 @p2 $0x1  }
0x17: {  	s4 =	simm.s32 $0x1BF5;
	[smem:$0x3FBB] =	sst s0  }
0x18: {  	s0 =	sld [smem:$0x3F9E];
	_ =	swait.ge [sflag:s4], $0x0  }
0x19: {  	s7 =	sld [smem:$0x3F9F]  }
0x1a: {  	s8 =	sadd.s32 $0xFFFFE003, lr  }
0x1b: {  	s9 =	sadd.s32 $0xFFFFFEF7, lr;
	s5 =	simm.s32 $0xFFFFFFFF;
	p2 =	slt.u32 s8, $0xFFFFF086  }
0x1c: {  	p1 =	slt.u32 s9, $0xF7A;
	s5 =	simm.s32 @!p2 $0x0  }
0x1d: {  	s5 =	simm.s32 @p1 $0x1;
	p0 =	seq.s32 s7, s2  }
0x1e: {  	s7 =	smul.u32 @!p0 $0xF7A, s2;
	p2 =	seq.s32 @!p0 s5, $0x0  }
0x1f: {  	s9 =	smul.u32 $0xF7A, s1;
	s8 =	simm.s32 @!p0 $0x1BF5;
	p2 =	por !p2, p0  }
0x20: {  	[sflag:s8] =	ssyncset.s32 @!p0 $0xFFFFF086;
	s6 =	sadd.s32 @!p0 s3, s7;
	s7 =	simm.s32 @!p0 $0x108  }
0x21: {  	s3 =	sadd.s32 s3, s9;
	s6 =	sadd.s32 @!p0 $0x88, s6;
	s7 =	simm.s32 @p2 $0x1082  }
0x22: {  	[simem:s7], [sflag:s8] =	dma.local @!p0 [hbm:s6], $0xF7A  }
0x23: {  	s9 =	sor.u32 $0xD0000000, s2;
	s6 =	simm.s32 $0x108;
	_ =	swait.ge @!p0 [sflag:s8], $0x0  }
0x24: {  	s3 =	sadd.s32 $0x88, s3;
	s6 =	simm.s32 @!p1 $0x1082;
	[sflag:s4] =	ssyncset.s32 $0xFFFFF086  }
0x25: {  	[simem:s6], [sflag:s4] =	dma.local [hbm:s3], $0xF7A  }
0x26: {  	[smem:$0x3F9F] =	sst s1;
	(tag) =	ssettag s2;
	_ =	strace s9  }
0x27: {  	s1 =	sld [smem:$0x3FAF]  }
0x28: {  	s2 =	sld [smem:$0x3FB0]  }
0x29: {  	s4 =	sld [smem:$0x3FB2]  }
0x2a: {  	p0 =	seq.s32 s5, $0x0;
	s5 =	sld [smem:$0x3FB3]  }
0x2b: {  	s6 =	sld [smem:$0x3FB4]  }
0x2c: {  	s7 =	sld [smem:$0x3FB5]  }
0x2d: {  	s3 =	simm.s32 $0x108;
	s8 =	sld [smem:$0x3FB6]  }
0x2e: {  	s3 =	simm.s32 @!p0 $0x1082;
	s9 =	sld [smem:$0x3FB7]  }
0x2f: {  	lr =	sadd.s32 s0, s3;
	s0 =	sld [smem:$0x3FAE]  }
0x30: {  	s3 =	sld [smem:$0x3FB1]  }
0x31: {  	[smem:$0x3FBA] =	sst s10  }
0x32: {  	s10 =	sld [smem:$0x3FB8];
	_ =	sdelay $0x3  }
0x33: {  	p0 =	seq.s32 s10, $0x1;
	s10 =	sld [smem:$0x3FBA];
	_ =	sdelay $0x3  }
0x34: {  	[smem:$0x3FBA] =	sst s10  }
0x35: {  	s10 =	sld [smem:$0x3FB9];
	_ =	sdelay $0x3  }
0x36: {  	p1 =	seq.s32 s10, $0x1;
	s10 =	sld [smem:$0x3FBA];
	_ =	sdelay $0x3  }
0x37: {  	[smem:$0x3FBA] =	sst s10  }
0x38: {  	s10 =	sld [smem:$0x3FBB]  }
0x39: {  	_ = 	snop;
	(pc) =	sbr.ind lr, $3  }
0x3a: {  	_ = 	snop  }
0x3b: {  	_ = 	snop  }
0x3c: {  	p2 =	seq.s32 s10, $0x1;
	s10 =	sld [smem:$0x3FBA]  }
0x3d: {  	_ =	shalt  }
0x3e: {  	_ =	shalt  }
0x3f: {  	_ =	shalt  }
0x40: {  	_ =	shalt  }
0x41: {  	_ =	shalt  }
0x42: {  	_ =	shalt  }
0x43: {  	_ =	shalt  }
0x44: {  	_ =	shalt  }
0x45: {  	_ =	shalt  }
0x46: {  	_ =	shalt  }
0x47: {  	_ =	shalt  }
0x48: {  	_ =	shalt  }
0x49: {  	_ =	shalt  }
0x4a: {  	_ =	shalt  }
0x4b: {  	_ =	shalt  }
0x4c: {  	_ =	shalt  }
0x4d: {  	_ =	shalt  }
0x4e: {  	_ =	shalt  }
0x4f: {  	_ =	shalt  }
0x50: {  	_ =	shalt  }
0x51: {  	_ =	shalt  }
0x52: {  	_ =	shalt  }
0x53: {  	_ =	shalt  }
0x54: {  	_ =	shalt  }
0x55: {  	_ =	shalt  }
0x56: {  	_ =	shalt  }
0x57: {  	_ =	shalt  }
0x58: {  	_ =	shalt  }
0x59: {  	_ =	shalt  }
0x5a: {  	_ =	shalt  }
0x5b: {  	_ =	shalt  }
0x5c: {  	_ =	shalt  }
0x5d: {  	_ =	shalt  }
0x5e: {  	_ =	shalt  }
0x5f: {  	_ =	shalt  }
0x60: {  	_ =	shalt  }
0x61: {  	_ =	shalt  }
0x62: {  	_ =	shalt  }
0x63: {  	_ =	shalt  }
0x64: {  	_ =	shalt  }
0x65: {  	_ =	shalt  }
0x66: {  	_ =	shalt  }
0x67: {  	_ =	shalt  }
0x68: {  	_ =	shalt  }
0x69: {  	_ =	shalt  }
0x6a: {  	_ =	shalt  }
0x6b: {  	_ =	shalt  }
0x6c: {  	_ =	shalt  }
0x6d: {  	_ =	shalt  }
0x6e: {  	_ =	shalt  }
0x6f: {  	_ =	shalt  }
0x70: {  	_ =	shalt  }
0x71: {  	_ =	shalt  }
0x72: {  	_ =	shalt  }
0x73: {  	_ =	shalt  }
0x74: {  	_ =	shalt  }
0x75: {  	_ =	shalt  }
0x76: {  	_ =	shalt  }
0x77: {  	_ =	shalt  }
0x78: {  	_ =	shalt  }
0x79: {  	_ =	shalt  }
0x7a: {  	_ =	shalt  }
0x7b: {  	_ =	shalt  }
0x7c: {  	_ =	shalt  }
0x7d: {  	_ =	shalt  }
0x7e: {  	_ =	shalt  }
0x7f: {  	_ =	shalt  }
0x80: {  	_ =	shalt  }
0x81: {  	_ =	shalt  }
0x82: {  	_ =	shalt  }
0x83: {  	_ =	shalt  }
0x84: {  	_ =	shalt  }
0x85: {  	_ =	shalt  }
0x86: {  	_ =	shalt  }
0x87: {  	_ =	shalt  }
.Lfunc_end0:
.L_simem_size_0:
called_computation_lowered:
.L_overlay_start_0:
0x88: {  	s2 =	sld [smem:$0x3FD9]  }
0x89: {  	s3 =	sld [smem:$0x3FFE];
	_ =	sdelay $0x1  }
0x8a: {  	s1 =	srdreg.scid  }
0x8b: {  	s0 =	sand.u32 $0x1, s1  }
0x8c: {  	s17 =	sshll.u32 s0, $0xA;
	s2 =	sadd.s32 s3, s2  }
0x8d: {  	s2 =	sadd.s32 s2, s17  }
0x8e: {  	[smem:$0x3FC6] =	sst s2  }
0x8f: {  	_ = 	snop  }
0x90: {  	s2 =	sld [smem:$0x3FC8]  }
0x91: {  	s18 =	sld [smem:$0x3FD0];
	(tm) =	ssettm $0x1  }
0x92: {  	s4 =	sld [smem:$0x3FFB];
	_ =	sdelay $0x3  }
0x93: {  	_ =	strace s4  }
0x94: {  	s4 =	sld [smem:$0x3FFC];
	_ =	sdelay $0x3  }
0x95: {  	_ =	strace s4  }
0x96: {  	s4 =	sld [smem:$0x3FFD];
	_ =	sdelay $0x3  }
0x97: {  	_ =	strace s4  }
0x98: {  	_ =	strace $0x8FFFFFFF  }
0x99: {  	s19 =	sld [smem:$0x3FDB];
	_ =	sdelay $0x1  }
0x9a: {  	s5 =	simm.s32 $_scs_section_size  }
0x9b: {  	s6 =	simm.s32 $_size__tile_overlayer_lowered;
	s7 =	simm.s32 $_tile_overlayer_lowered  }
0x9c: {  	s22 =	simm.s32 $0x1BFF;
	s21 =	sshll.u32 s7, $0x1;
	s4 =	sadd.s32 s5, s19  }
0x9d: {  	s8 =	simm.s32 $0x0;
	s20 =	sshll.u32 s6, $0x1;
	s6 =	sadd.s32 s21, s4  }
0x9e: {  	[timem:s8], [sflag:s22] =	dma.local [hbm:s6], s20  }
0x9f: {  	_ =	swait.ge [sflag:s22], s20  }
0xa0: {  	s5 =	ssub.s32 $0x0, s20;
	[sflag:s22] =	ssyncset.done $0x0  }
0xa1: {  	[sflag:s22] =	ssyncadd.s32 s5;
	_ =	sdelay $0x1  }
0xa2: {  	s23 =	simm.s32 $0x1B8B  }
0xa3: {  	_ =	swait.ge [sflag:s23], $0x1  }
0xa4: {  	[sflag:s23] =	ssyncset.done $0x0  }
0xa5: {  	s25 =	simm.s32 $0x1B8E;
	s24 =	sld [smem:$0x3FFE];
	[sflag:s23] =	ssyncadd.s32 $0xFFFFFFFF  }
0xa6: {  	s26 =	simm.s32 $execute0_lowered;
	[smem:$0x3FD2] =	sst s25  }
0xa7: {  	s6 =	sshll.u32 s26, $0x1;
	_ =	strace $0x80000046;
	[dreg:$0x1] =	wrdreg $0xFFFFFFFF  }
0xa8: {  	s28 =	simm.s32 $_size_execute0_lowered;
	s4 =	sadd.s32 s4, s6;
	[dreg:$0x0] =	wrdreg $0x0  }
0xa9: {  	s6 =	sshll.u32 s28, $0x1;
	[dreg:$0x2] =	wrdreg s4  }
0xaa: {  	[dreg:$0x3] =	wrdreg s6  }
0xab: {  	[dreg:$0x4] =	wrdreg $0xC0  }
0xac: {  	_ =	task [dreg:s8], $0x5FFFF  }
0xad: {  	[dreg:$0x1] =	wrdreg $0xFFFFFFFF  }
0xae: {  	[dreg:$0x0] =	wrdreg $0x60  }
0xaf: {  	[dreg:$0x2] =	wrdreg s24  }
0xb0: {  	[dreg:$0x3] =	wrdreg s2  }
0xb1: {  	[dreg:$0x4] =	wrdreg s18  }
0xb2: {  	[dreg:$0x5] =	wrdreg $0x0  }
0xb3: {  	[dreg:$0x6] =	wrdreg $0x9  }
0xb4: {  	_ =	task.clear_ibuf [dreg:s8], $0x7FFFF;
	_ =	strace $0x90000046  }
0xb5: {  	s29 =	simm.s32 $0x9;
	_ =	strace $0x80000048  }
0xb6: {  	_ =	swait.ge [sflag:s29], $0x1  }
0xb7: {  	[sflag:s29] =	ssyncadd.s32 $0xFFFFFFFF  }
0xb8: {  	_ =	strace $0x90000048  }
0xb9: {  	_ =	sfence  }
0xba: {  	s30 =	sld [smem:$0x0];
	_ =	sdelay $0x2  }
0xbb: {  	s31 =	sshll.u32 s1, $0xD;
	s1 =	sshrl.u32 s1, $0x2  }
0xbc: {  	s3 =	sand.u32 $0x4000, s31;
	s1 =	sadd.s32 s1, s30  }
0xbd: {  	s0 =	sor.u32 s3, s0;
	s1 =	sshll.u32 s1, $0x11  }
0xbe: {  	s0 =	sor.u32 s1, s0  }
0xbf: {  	s0 =	sadd.s32 $0x8F2B, s0  }
0xc0: {  	[sflag:s0] =	ssyncadd.remote.s32 $0x1  }
0xc1: {  	_ =	sfence.sel $0xFFFF  }
0xc2: {  	[dreg:$0x0] =	wrdreg $0xFFFFFFFF;
	(pc) =	sbr.abs _section_cstart, $3  }
0xc3: {  	[dreg:$0x1] =	wrdreg $0xFFFFFFFF  }
0xc4: {  	_ =	task.clear_ibuf [dreg:s8], $0x2FFFF;
	_ =	strace $0x9FFFFFFF  }
0xc5: {  	(tm) =	ssettm $0x7FFFFFFF  }
tec
execute0_lowered:
.L_overlay_start_1:
0x0: {  	(tag) =	ssettag $0x1  }
0x1: {  	s0 =	rddreg [dreg:$0x0]  }
0x2: {  	s1 =	srdreg.scid;
	s5 =	rddreg [dreg:$0x2]  }
0x3: {  	s4 =	stileid.u32;
	s2 =	rddreg [dreg:$0x3];
	s28 =	simm.s32 $0x4600  }
0x4: {  	s29 =	simm.s32 $0x6;
	s30 =	simm.s32 $0x3;
	s31 =	simm.s32 $0x8600  }
0x5: {  	s1 =	sand.u32 $0x1, s1;
	s3 =	sshll.u32 s4, $0x1;
	s7 =	smul.u32 $0x32000, s4  }
0x6: {  	s0 =	sadd.s32 $0x400, s0;
	s19 =	smul.u32 $0x1900000, s4;
	p0 =	sne.s32 s4, $0x0  }
0x7: {  	s4 =	simm.s32 $0xB;
	s6 =	sor.u32 s1, s3;
	s9 =	smul.u32 $0x19000, s1  }
0x8: {  	s3 =	simm.s32 $0x0;
	s8 =	ssub.s32 $0x2, s1;
	s1 =	smul.u32 $0xC80000, s1  }
0x9: {  	s6 =	smul.u32 $0x19000, s6;
	[smem:$0x7FF] =	sst s3;
	s10 =	sshrl.u32 s8, $0x1  }
0xa: {  	_ =	strace $0x80000047;
	s8 =	ssub.s32 s8, s10;
	s13 =	sadd.s32 s9, s7  }
0xb: {  	s1 =	sadd.s32 s1, s19;
	s6 =	sshrl.u32 s6, $0x3;
	s16 =	sor.u32 $0x380, s13  }
0xc: {  	s8 =	smax.u32 s8, $0x1;
	s18 =	sor.u32 $0x300, s13;
	s11 =	sor.u32 $0x280, s13  }
0xd: {  	s21 =	sor.u32 $0xC000, s1;
	s22 =	sor.u32 $0x8000, s1;
	s23 =	sor.u32 $0x4000, s1  }
0xe: {  	s26 =	sshrl.u32 s1, $0x3;
	s1 =	simm.s32 $0x7;
	s12 =	sadd.s32 s0, s6  }
0xf: {  	[dreg:$0x9] =	wrdreg s8;
	s7 =	sshrl.u32 s16, $0x3;
	s20 =	sshrl.u32 s11, $0x3  }
0x10: {  	s6 =	sor.u32 $0x200, s13;
	s25 =	sshrl.u32 s23, $0x3;
	s23 =	simm.s32 $0x80  }
0x11: {  	s8 =	simm.s32 $0xA;
	s14 =	sadd.s32 $0x10, s12;
	[dreg:$0x5] =	wrdreg s12  }
0x12: {  	s13 =	simm.s32 $0xC;
	s15 =	sadd.s32 $0x20, s12;
	[dreg:$0x6] =	wrdreg s14  }
0x13: {  	s17 =	sadd.s32 $0x30, s12;
	s7 =	sadd.s32 s7, s0;
	[dreg:$0x7] =	wrdreg s15  }
0x14: {  	s11 =	sadd.s32 s20, s0;
	s6 =	sshrl.u32 s6, $0x3;
	[dreg:$0x8] =	wrdreg s17  }
0x15: {  	[dreg:$0xa] =	wrdreg s7;
	s7 =	sshrl.u32 s18, $0x3;
	s12 =	sadd.s32 s6, s0  }
0x16: {  	s6 =	sshrl.u32 s22, $0x3;
	s22 =	simm.s32 $0x1;
	s14 =	simm.s32 $0x0  }
0x17: {  	s10 =	sadd.s32 s7, s0;
	s0 =	sshrl.u32 s21, $0x3;
	s24 =	sadd.s32 s6, s5  }
0x18: {  	s21 =	simm.s32 $0x580;
	s6 =	simm.s32 $0x8;
	s7 =	simm.s32 $0x9  }
.Ltmp0:
0x19: {  	s0 =	sadd.s32 s0, s5;
	[dreg:$0xc] =	wrdreg s24;
	(pc) =	sbr.rel .LBB2_1-.Ltmp0, $4  }
0x1a: {  	s24 =	simm.s32 $0x600;
	[dreg:$0xb] =	wrdreg s0;
	s0 =	sadd.s32 s25, s5  }
0x1b: {  	s25 =	simm.s32 $0x5;
	[dreg:$0xd] =	wrdreg s0;
	s0 =	sadd.s32 s26, s5  }
0x1c: {  	s26 =	simm.s32 $0x2;
	[dreg:$0xe] =	wrdreg s0;
	s0 =	sshrl.u32 @!p0 s2, $0x3  }
0x1d: {  	s5 =	simm.s32 $0xC600;
	[dreg:$0xf] =	wrdreg s0;
	s0 =	simm.s32 $0x4  }
.LBB2_7:
0x1e: {  	_ =	swait.ge [sflag:s7], $0x4000  }
0x1f: {  	[sflag:s7] =	ssyncset.done $0x0  }
0x20: {  	[sflag:s7] =	ssyncadd.s32 $0xFFFFC000  }
0x21: {  	_ =	swait.ge [sflag:s8], $0x4000  }
0x22: {  	[sflag:s8] =	ssyncset.done $0x0  }
0x23: {  	[sflag:s8] =	ssyncadd.s32 $0xFFFFC000  }
0x24: {  	_ =	swait.ge [sflag:s4], $0x4000  }
0x25: {  	[sflag:s4] =	ssyncset.done $0x0  }
0x26: {  	[sflag:s4] =	ssyncadd.s32 $0xFFFFC000  }
0x27: {  	_ =	swait.ge [sflag:s13], $0x4000  }
0x28: {  	s14 =	rddreg [dreg:$0x10]  }
0x29: {  	s9 =	rddreg [dreg:$0x9];
	s14 =	sadd.s32 $0x1, s14  }
0x2a: {  	p1 =	sne.s32 s14, s9  }
.Ltmp1:
0x2b: {  	_ = 	snop;
	(pc) =	sbr.rel @!p1 .LBB2_8-.Ltmp1, $3  }
0x2c: {  	_ =	sdelay $0x1  }
0x2d: {  	[sflag:s13] =	ssyncset.done $0x0  }
0x2e: {  	[sflag:s13] =	ssyncadd.s32 $0xFFFFC000  }
.LBB2_1:
0x2f: {  	[dreg:$0x10] =	wrdreg s14  }
0x30: {  	s9 =	rddreg [dreg:$0x1]  }
0x31: {  	s14 =	simm.s32 @!p0 $0x1C0D;
	s15 =	rddreg [dreg:$0xf]  }
0x32: {  	[spmem:s15], [sflag:s14] =	dma.local @!p0 [hbm:s9], $0x800  }
0x33: {  	s14 =	simm.s32 @!p0 $0xD  }
0x34: {  	_ =	swait.ge @!p0 [sflag:s14], $0x800  }
0x35: {  	[sflag:s14] =	ssyncset.done @!p0 $0x0  }
0x36: {  	[sflag:s14] =	ssyncadd.s32 @!p0 $0xFFFFF800  }
0x37: {  	[bflag:$0x0] =	sbarrier.arrive $0xFFFF  }
0x38: {  	s14 =	simm.s32 $0x400;
	s15 =	rddreg [dreg:$0x5]  }
0x39: {  	[tilespmem:s14], [sflag:$0x1] =	stream.linear.gather [hbm4b:s15+s3], $0x80, $0x38;
	[tilespmem:$0x10600] =	vst v63  }
0x3a: {  	s17 =	simm.s32 $0x480;
	s16 =	rddreg [dreg:$0x6]  }
0x3b: {  	[tilespmem:s17], [sflag:$0x2] =	stream.linear.gather [hbm4b:s16+s3], $0x80, $0x38;
	[tilespmem:$0x10600] =	vst v63  }
0x3c: {  	s19 =	simm.s32 $0x500;
	s18 =	rddreg [dreg:$0x7]  }
0x3d: {  	[tilespmem:s19], [sflag:$0x3] =	stream.linear.gather [hbm4b:s18+s3], $0x80, $0x38;
	[tilespmem:$0x10600] =	vst v63  }
0x3e: {  	s20 =	rddreg [dreg:$0x8]  }
0x3f: {  	[tilespmem:s21], [sflag:$0x4] =	stream.linear.gather [hbm4b:s20+s3], $0x80, $0x38;
	[tilespmem:$0x10600] =	vst v63  }
0x40: {  	_ =	swait.ge [sflag:s22], $0x80  }
0x41: {  	s16 =	rddreg [dreg:$0xe]  }
0x42: {  	[sflag:s22] =	ssyncset.done $0x0;
	s17 =	rddreg [dreg:$0xd]  }
0x43: {  	s15 =	rddreg [dreg:$0xc];
	[sflag:s22] =	ssyncadd.s32 $0xFFFFFF80  }
0x44: {  	[tilespmem:s24], [sflag:$0x5] =	stream.indirect.gather [spmem:s2], $0x80, s14, s23, $0xb8;
	[tilespmem:$0x10600] =	vst v63  }
0x45: {  	s18 =	simm.s32 $0x0;
	s14 =	rddreg [dreg:$0xb]  }
.LBB2_2:
0x46: {  	p1 =	seq.s32 s18, $0x31C0  }
0x47: {  	p2 =	seq.s32 @!p1 s18, $0x0  }
0x48: {  	_ =	swait.ge [sflag:s25], $0x4000;
	p2 =	por p1, !p2  }
.Ltmp2:
0x49: {  	[sflag:s25] =	ssyncset.done $0x0;
	(pc) =	sbr.rel @!p2 .LBB2_3-.Ltmp2, $4  }
0x4a: {  	[sflag:s25] =	ssyncadd.s32 $0xFFFFC000  }
0x4b: {  	[hbm4b:s16+s3] =	stream.linear.scatter [tilespmem:s24], [sflag:$0x9], $0x4000, $0x38;
	[tilespmem:$0x10600] =	vst v63  }
0x4c: {  	s20 =	sadd.s32 @!p1 s18, s12;
	s19 =	simm.s32 @!p1 $0x0;
	s9 =	simm.s32 @!p1 $0x400  }
0x4d: {  	[tilespmem:s9], [sflag:$0x1] =	stream.linear.gather @!p1 [hbm4b:s20+s19], $0x80, $0x38;
	[tilespmem:$0x10600] =	vst v63  }
.Ltmp3:
0x4e: {  	(pc) =	sbr.rel .LBB2_5-.Ltmp3, $4  }
0x4f: {  	_ = 	snop  }
0x50: {  	_ =	swait.ge [sflag:s8], $0x4000  }
0x51: {  	[sflag:s8] =	ssyncset.done $0x0  }
0x52: {  	p2 =	por $0x0, $0x0;
	[sflag:s8] =	ssyncadd.s32 $0xFFFFC000  }
.LBB2_3:
0x53: {  	p2 =	por @!p1 $0x1, $0x1  }
.LBB2_5:
0x54: {  	_ =	swait.ge [sflag:s26], $0x80  }
0x55: {  	[sflag:s26] =	ssyncset.done $0x0  }
0x56: {  	s9 =	simm.s32 $0x480;
	[sflag:s26] =	ssyncadd.s32 $0xFFFFFF80  }
0x57: {  	[tilespmem:s28], [sflag:$0x6] =	stream.indirect.gather [spmem:s2], $0x80, s9, s23, $0xb8;
	[tilespmem:$0x10600] =	vst v63  }
0x58: {  	_ =	swait.ge [sflag:s29], $0x4000  }
0x59: {  	[sflag:s29] =	ssyncset.done $0x0  }
0x5a: {  	[sflag:s29] =	ssyncadd.s32 $0xFFFFC000  }
0x5b: {  	[hbm4b:s17+s3] =	stream.linear.scatter [tilespmem:s28], [sflag:$0xA], $0x4000, $0x38;
	[tilespmem:$0x10600] =	vst v63  }
0x5c: {  	s20 =	simm.s32 @!p1 $0x480;
	p2 =	por p1, !p2;
	s9 =	sadd.s32 @!p1 s18, s11  }
0x5d: {  	[tilespmem:s20], [sflag:$0x2] =	stream.linear.gather @!p1 [hbm4b:s9+s19], $0x80, $0x38;
	[tilespmem:$0x10600] =	vst v63  }
0x5e: {  	_ =	swait.ge @p2 [sflag:s4], $0x4000  }
0x5f: {  	[sflag:s4] =	ssyncset.done @p2 $0x0  }
0x60: {  	[sflag:s4] =	ssyncadd.s32 @p2 $0xFFFFC000  }
0x61: {  	_ =	swait.ge [sflag:s30], $0x80  }
0x62: {  	[sflag:s30] =	ssyncset.done $0x0  }
0x63: {  	s20 =	simm.s32 $0x500;
	[sflag:s30] =	ssyncadd.s32 $0xFFFFFF80  }
0x64: {  	[tilespmem:s31], [sflag:$0x7] =	stream.indirect.gather [spmem:s2], $0x80, s20, s23, $0xb8;
	[tilespmem:$0x10600] =	vst v63  }
0x65: {  	_ =	swait.ge [sflag:s1], $0x4000  }
0x66: {  	[sflag:s1] =	ssyncset.done $0x0  }
0x67: {  	[sflag:s1] =	ssyncadd.s32 $0xFFFFC000  }
0x68: {  	[hbm4b:s15+s3] =	stream.linear.scatter [tilespmem:s31], [sflag:$0xB], $0x4000, $0x38;
	[tilespmem:$0x10600] =	vst v63  }
0x69: {  	s9 =	sadd.s32 @!p1 s18, s10;
	s19 =	simm.s32 @!p1 $0x0;
	s20 =	simm.s32 @!p1 $0x500  }
0x6a: {  	[tilespmem:s20], [sflag:$0x3] =	stream.linear.gather @!p1 [hbm4b:s9+s19], $0x80, $0x38;
	[tilespmem:$0x10600] =	vst v63  }
0x6b: {  	_ =	swait.ge @p2 [sflag:s13], $0x4000  }
0x6c: {  	[sflag:s13] =	ssyncset.done @p2 $0x0  }
0x6d: {  	[sflag:s13] =	ssyncadd.s32 @p2 $0xFFFFC000  }
0x6e: {  	_ =	swait.ge [sflag:s0], $0x80  }
0x6f: {  	[sflag:s0] =	ssyncset.done $0x0  }
0x70: {  	[sflag:s0] =	ssyncadd.s32 $0xFFFFFF80  }
0x71: {  	[tilespmem:s5], [sflag:$0x8] =	stream.indirect.gather [spmem:s2], $0x80, s21, s23, $0xb8;
	[tilespmem:$0x10600] =	vst v63  }
.Ltmp4:
0x72: {  	_ = 	snop;
	(pc) =	sbr.rel @p1 .LBB2_7-.Ltmp4, $4  }
0x73: {  	_ =	swait.ge [sflag:s6], $0x4000  }
0x74: {  	[sflag:s6] =	ssyncset.done $0x0  }
0x75: {  	[sflag:s6] =	ssyncadd.s32 $0xFFFFC000  }
0x76: {  	[hbm4b:s14+s3] =	stream.linear.scatter [tilespmem:s5], [sflag:$0xC], $0x4000, $0x38;
	[tilespmem:$0x10600] =	vst v63  }
0x77: {  	s9 =	rddreg [dreg:$0xa]  }
0x78: {  	s9 =	sadd.s32 s18, s9  }
0x79: {  	[tilespmem:s21], [sflag:$0x4] =	stream.linear.gather [hbm4b:s9+s3], $0x80, $0x38;
	[tilespmem:$0x10600] =	vst v63  }
0x7a: {  	_ =	swait.ge [sflag:s7], $0x4000  }
0x7b: {  	[sflag:s7] =	ssyncset.done $0x0  }
.Ltmp5:
0x7c: {  	[sflag:s7] =	ssyncadd.s32 $0xFFFFC000;
	(pc) =	sbr.rel .LBB2_2-.Ltmp5, $4  }
0x7d: {  	s20 =	simm.s32 $0x400;
	s14 =	sadd.s32 $0x2000, s14;
	_ =	swait.ge [sflag:s22], $0x80  }
0x7e: {  	s15 =	sadd.s32 $0x2000, s15;
	s17 =	sadd.s32 $0x2000, s17;
	[sflag:s22] =	ssyncset.done $0x0  }
0x7f: {  	s16 =	sadd.s32 $0x2000, s16;
	s18 =	sadd.s32 $0x40, s18;
	[sflag:s22] =	ssyncadd.s32 $0xFFFFFF80  }
0x80: {  	[tilespmem:s24], [sflag:$0x5] =	stream.indirect.gather [spmem:s2], $0x80, s20, s23, $0xb8;
	[tilespmem:$0x10600] =	vst v63  }
.LBB2_8:
0x81: {  	_ =	sfence.sel $0x180000  }
0x82: {  	[bflag:$0x0] =	sbarrier.arrive $0xFFFF  }
0x83: {  	_ =	strace $0x90000047  }
0x84: {  	[bflag:$0x2] =	sbarrier.arrive $0xFFFF  }
0x85: {  	s0 =	rddreg [dreg:$0x4]  }
0x86: {  	s0 =	sadd.s32 @!p0 $0x100000, s0  }
0x87: {  	[sflag:s0] =	ssyncadd.tile.s32 @!p0 $0x1;
	_ =	shalt  }
.Lfunc_end2:
_tile_overlayer_lowered:
.L_overlay_start_2:
0x88: {  	(tag) =	ssettag $0x2  }
0x89: {  	s0 =	rddreg [dreg:$0x0];
	s2 =	stileid.u32  }
0x8a: {  	s1 =	rddreg [dreg:$0x1];
	p0 =	sne.s32 s2, $0x0  }
0x8b: {  	s3 =	rddreg [dreg:$0x2];
	[bflag:$0x3] =	sbarrier.arrive $0xFFFF;
	s2 =	simm.s32 @!p0 $0x1C0D  }
0x8c: {  	[timem:s3], [sflag:s2] =	dma.local @!p0 [hbm:s0], s1  }
0x8d: {  	s0 =	simm.s32 @!p0 $0xD  }
0x8e: {  	_ =	swait.ge @!p0 [sflag:s0], s1  }
0x8f: {  	s1 =	ssub.s32 @!p0 $0x0, s1;
	[sflag:s0] =	ssyncset.done @!p0 $0x0  }
0x90: {  	[sflag:s0] =	ssyncadd.s32 @!p0 s1  }
0x91: {  	[bflag:$0x3] =	sbarrier.arrive $0xFFFF  }
0x92: {  	_ =	shalt  }

</sc_bundles>
